<compile_context>
chip_gen: v7x
topology: tpu7x:2x2x1
jax: 0.10.2.dev20260603
libtpu: 0.0.44.dev20260713+nightly
codegen_flags: <defaults>
</compile_context>

<pallas_src>
import jax
import jax.numpy as jnp
from jax import lax
from jax.experimental import pallas as pl
from jax.experimental.pallas import tpu as pltpu
from jax.experimental.pallas import tpu_sc as plsc


def _assign_body(x_ref, cb_ref, pos_ref, codebooks_ref, csq_ref):
    b = pl.program_id(0)
    cb = cb_ref[...]
    S, d = cb.shape
    L = x_ref.shape[1]

    @pl.when(b == 0)
    def _init_csq():
        csq_ref[...] = jnp.broadcast_to(
            jnp.sum(cb * cb, axis=1)[None, :], csq_ref.shape)

    x = x_ref[0]
    cross = lax.dot_general(
        x, cb, (((1,), (1,)), ((), ())),
        preferred_element_type=jnp.float32)
    x_sq = jnp.sum(x * x, axis=1, keepdims=True)
    d2 = x_sq - 2.0 * cross + csq_ref[0:1, :]
    deltas = jnp.argmin(d2, axis=1).astype(jnp.int32)
    row = lax.iota(jnp.int32, L)
    pos_ref[0, 0] = (b * L + row) * S + deltas

    col = lax.broadcasted_iota(jnp.int32, (L, S), 1)
    onehot = (col == deltas[:, None]).astype(jnp.float32)
    counts = jnp.sum(onehot, axis=0)
    sums = lax.dot_general(
        onehot, x, (((0,), (0,)), ((), ())),
        preferred_element_type=jnp.float32)
    c = counts[:, None]
    codebooks_ref[0] = jnp.where(c > 0.0, sums / jnp.maximum(c, 1.0), cb)


def _assign(x, codebook):
    B, L, d = x.shape
    S = codebook.shape[0]
    pos, codebooks = pl.pallas_call(
        _assign_body,
        grid=(B,),
        in_specs=[
            pl.BlockSpec((1, L, d), lambda b: (b, 0, 0)),
            pl.BlockSpec((S, d), lambda b: (0, 0)),
        ],
        out_specs=[
            pl.BlockSpec((1, 1, L), lambda b: (b, 0, 0)),
            pl.BlockSpec((1, S, d), lambda b: (b, 0, 0)),
        ],
        out_shape=[
            jax.ShapeDtypeStruct((B, 1, L), jnp.int32),
            jax.ShapeDtypeStruct((B, S, d), jnp.float32),
        ],
        scratch_shapes=[
            pltpu.VMEM((8, S), jnp.float32),
        ],
    )(x, codebook)
    return pos.reshape(B * L), codebooks


def _make_onehot_writer(n_rows, S):
    info = plsc.get_sparse_core_info()
    NW = info.num_cores * info.num_subcores
    rows_w = n_rows // NW
    CH = 16
    n_ch = rows_w // CH
    chunk_words = CH * S

    mesh = plsc.VectorSubcoreMesh(core_axis_name="c", subcore_axis_name="s")

    def body(pos_hbm, out_hbm, posv, ones_v, zbuf, sem, sem2):
        wid = lax.axis_index("s") * info.num_cores + lax.axis_index("c")
        base_row = wid * rows_w
        pltpu.sync_copy(pos_hbm.at[pl.ds(base_row, rows_w)], posv)

        def zero16(i, _):
            zbuf[pl.ds(i * 16, 16)] = jnp.zeros((16,), jnp.float32)
            ones_v[pl.ds((i % (rows_w // 16)) * 16, 16)] = jnp.full(
                (16,), 1.0, jnp.float32)
            return 0
        lax.fori_loop(0, chunk_words // 16, zero16, 0)

        copies = [
            pltpu.async_copy(
                zbuf,
                out_hbm.at[pl.ds(base_row * S + c * chunk_words, chunk_words)],
                sem)
            for c in range(n_ch)
        ]
        for cp in copies:
            cp.wait()
        pltpu.async_copy(ones_v, out_hbm.at[posv], sem2).wait()

    return pl.kernel(
        body,
        out_type=jax.ShapeDtypeStruct((n_rows * S,), jnp.float32),
        mesh=mesh,
        scratch_types=[
            pltpu.VMEM((rows_w,), jnp.int32),
            pltpu.VMEM((rows_w,), jnp.float32),
            pltpu.VMEM((chunk_words,), jnp.float32),
            pltpu.SemaphoreType.DMA,
            pltpu.SemaphoreType.DMA,
        ],
    )


def kernel(x, codebook):
    B, L, d = x.shape
    S = codebook.shape[0]
    pos, codebooks = _assign(x, codebook)
    onehot_flat = _make_onehot_writer(B * L, S)(pos)
    return onehot_flat.reshape(B, L, S), codebooks

# --- scband reference (transcript-rebuilt; emitter-appended) ---
"""Pipeline reference for scband-quantizer-20753281974686 (READ-ONLY COPY).

The authoritative reference and input builder live on the scoring server;
editing this copy changes nothing except your own understanding.
"""

import jax, jax.numpy as jnp
import numpy as np


def setup_inputs(seed: int = 0) -> dict:
    key = jax.random.key(seed)
    k1, k2 = jax.random.split(key)
    x = jax.random.normal(k1, (8, 576, 64), dtype=jnp.float32)
    codebook = jax.random.normal(k2, (1024, 64), dtype=jnp.float32)
    return {"x": x, "codebook": codebook}


def reference(x, codebook):
    # Emulates Quantizer.forward: cluster.Apply(x) -> (deltas, codebooks)
    # ClusterTool is modeled as nearest-codeword assignment + one Lloyd refit step
    # producing a per-batch codebook, as in the original [B, S, dim] output.
    B, L, d = x.shape
    S = codebook.shape[0]
    cb = jnp.broadcast_to(codebook[None, :, :], (B, S, d))
    # squared euclidean distances [B, L, S]
    x_sq = jnp.sum(x * x, axis=-1, keepdims=True)            # [B, L, 1]
    c_sq = jnp.sum(cb * cb, axis=-1)[:, None, :]              # [B, 1, S]
    cross = jnp.einsum('bld,bsd->bls', x, cb)                 # [B, L, S]
    d2 = x_sq - 2.0 * cross + c_sq
    deltas = jnp.argmin(d2, axis=-1)                          # [B, L]
    deltas_onehot = jax.nn.one_hot(deltas, S, dtype=jnp.float32)  # [B, L, S]
    # one k-means (Lloyd) update step: per-batch centroids of assigned vectors
    counts = jnp.sum(deltas_onehot, axis=1)                   # [B, S]
    sums = jnp.einsum('bls,bld->bsd', deltas_onehot, x)       # [B, S, d]
    codebooks = jnp.where(counts[..., None] > 0.0,
                          sums / jnp.maximum(counts[..., None], 1.0),
                          cb)
    return deltas_onehot, codebooks

if __name__ == "__main__":
    import jax
    _d = setup_inputs()
    print(jax.jit(kernel)(*tuple(_d.values())))

</pallas_src>

<mosaic_0001>
#map = affine_map<(d0, d1) -> (0)>
module attributes {stable_mosaic.version = 14 : i64} {
  func.func @body(%arg0: i32, %arg1: i32, %arg2: memref<4608xi32, #tpu.memory_space<hbm>>, %arg3: memref<4718592xf32, #tpu.memory_space<hbm>>, %arg4: memref<144xi32, #tpu.memory_space<vmem>>, %arg5: memref<144xf32, #tpu.memory_space<vmem>>, %arg6: memref<16384xf32, #tpu.memory_space<vmem>>, %arg7: memref<!tpu.dma_semaphore, #tpu.memory_space<semaphore_mem>>, %arg8: memref<!tpu.dma_semaphore, #tpu.memory_space<semaphore_mem>>) attributes {dimension_semantics = [#tpu.dimension_semantics<core_parallel>, #tpu.dimension_semantics<subcore_parallel>], iteration_bounds = array<i64: 2, 16>, scalar_prefetch = 0 : i64, scratch_operands = 5 : i64, tpu.core_type = #tpu.core_type<sc_vector_subcore>, window_params = [{transform_indices = #map}, {transform_indices = #map}]} {
    %mul3A = arith.constant 2 : i32
    %mul3A_0 = arith.muli %arg1, %mul3A : i32
    %add3A = arith.addi %mul3A_0, %arg0 : i32
    %mul3A_1 = arith.constant 144 : i32
    %mul3A_2 = arith.muli %add3A, %mul3A_1 : i32
    "tpu.region"() ({
      %run_scoped3A = tpu.sem_alloc : memref<!tpu.dma_semaphore, #tpu.memory_space<semaphore_mem>>
      %dma_start3A_83 = tpu.memref_slice %arg2[%mul3A_2] : memref<4608xi32, #tpu.memory_space<hbm>> -> memref<144xi32, #tpu.memory_space<hbm>>
      %dma_start3A_84 = tpu.memref_slice %arg2[%mul3A_2] : memref<4608xi32, #tpu.memory_space<hbm>> -> memref<144xi32, #tpu.memory_space<hbm>>
      tpu.enqueue_dma source(%dma_start3A_84 : memref<144xi32, #tpu.memory_space<hbm>>) target(%arg4 : memref<144xi32, #tpu.memory_space<vmem>>) target_semaphore(%run_scoped3A : memref<!tpu.dma_semaphore, #tpu.memory_space<semaphore_mem>>)
      %dma_wait3A_85 = tpu.memref_slice %arg2[%mul3A_2] : memref<4608xi32, #tpu.memory_space<hbm>> -> memref<144xi32, #tpu.memory_space<hbm>>
      %dma_wait3A_86 = tpu.memref_slice %arg2[%mul3A_2] : memref<4608xi32, #tpu.memory_space<hbm>> -> memref<144xi32, #tpu.memory_space<hbm>>
      tpu.wait_dma2 semaphore(%run_scoped3A : memref<!tpu.dma_semaphore, #tpu.memory_space<semaphore_mem>>) src(%dma_wait3A_86 : memref<144xi32, #tpu.memory_space<hbm>>) dst(%arg4 : memref<144xi32, #tpu.memory_space<vmem>>)
      tpu.yield
    }) : () -> ()
    %scan3A = arith.constant 0 : i32
    %scan3A_3 = arith.constant 0 : i32
    %scan3A_4 = arith.constant 1024 : i32
    %scan3A_5 = arith.addi %scan3A_3, %scan3A_4 : i32
    %scan3A_6 = arith.constant 1 : i32
    %scan3A_7 = scf.for %scan3A_83 = %scan3A_3 to %scan3A_5 step %scan3A_6 iter_args(%scan3A_84 = %scan3A) -> (i32)  : i32 {
      %broadcast_in_dim3A = arith.constant 0.000000e+00 : f32
      %broadcast_in_dim3A_85 = vector.broadcast %broadcast_in_dim3A : f32 to vector<16xf32>
      %mul3A_86 = arith.constant 16 : i32
      %mul3A_87 = arith.muli %scan3A_83, %mul3A_86 : i32
      %swap3A = arith.index_cast %mul3A_87 : i32 to index
      %swap3A_88 = tpu.vector_load %arg6[%swap3A] {strides = array<i32>} : memref<16384xf32, #tpu.memory_space<vmem>>, vector<16xf32>,
      %swap3A_89 = vector.shape_cast %swap3A_88 : vector<16xf32> to vector<16xf32>
      %swap3A_90 = vector.shape_cast %broadcast_in_dim3A_85 : vector<16xf32> to vector<16xf32>
      tpu.vector_store %arg6[%swap3A], %swap3A_90 {strides = array<i32>} : memref<16384xf32, #tpu.memory_space<vmem>>, vector<16xf32>,
      %broadcast_in_dim3A_91 = arith.constant 1.000000e+00 : f32
      %broadcast_in_dim3A_92 = vector.broadcast %broadcast_in_dim3A_91 : f32 to vector<16xf32>
      %jit3A = arith.constant 9 : i32
      %eq3A = arith.constant 0 : i32
      %eq3A_93 = arith.cmpi eq, %jit3A, %eq3A : i32
      %jit3A_94 = arith.constant 1 : i32
      %select_n3A = arith.select %eq3A_93, %jit3A_94, %jit3A : i32
      %rem3A = arith.remsi %scan3A_83, %select_n3A : i32
      %ne3A = arith.constant 0 : i32
      %ne3A_95 = arith.cmpi ne, %rem3A, %ne3A : i32
      %lt3A = arith.constant 0 : i32
      %lt3A_96 = arith.cmpi slt, %rem3A, %lt3A : i32
      %lt3A_97 = arith.constant 0 : i32
      %lt3A_98 = arith.cmpi slt, %select_n3A, %lt3A_97 : i32
      %ne3A_99 = arith.xori %lt3A_96, %lt3A_98 : i1
      %and3A = arith.andi %ne3A_99, %ne3A_95 : i1
      %add3A_100 = arith.addi %rem3A, %select_n3A : i32
      %select_n3A_101 = arith.select %and3A, %add3A_100, %rem3A : i32
      %mul3A_102 = arith.constant 16 : i32
      %mul3A_103 = arith.muli %select_n3A_101, %mul3A_102 : i32
      %swap3A_104 = arith.index_cast %mul3A_103 : i32 to index
      %swap3A_105 = tpu.vector_load %arg5[%swap3A_104] {strides = array<i32>} : memref<144xf32, #tpu.memory_space<vmem>>, vector<16xf32>,
      %swap3A_106 = vector.shape_cast %swap3A_105 : vector<16xf32> to vector<16xf32>
      %swap3A_107 = vector.shape_cast %broadcast_in_dim3A_92 : vector<16xf32> to vector<16xf32>
      tpu.vector_store %arg5[%swap3A_104], %swap3A_107 {strides = array<i32>} : memref<144xf32, #tpu.memory_space<vmem>>, vector<16xf32>,
      %scan3A_108 = arith.constant 0 : i32
      scf.yield %scan3A_108 : i32
    }
    %scan3A_8 = arith.constant 1024 : i32
    %mul3A_9 = arith.constant 1024 : i32
    %mul3A_10 = arith.muli %mul3A_2, %mul3A_9 : i32
    %add3A_11 = arith.constant 0 : i32
    %add3A_12 = arith.addi %mul3A_10, %add3A_11 : i32
    %dma_start3A = tpu.memref_slice %arg3[%add3A_12] : memref<4718592xf32, #tpu.memory_space<hbm>> -> memref<16384xf32, #tpu.memory_space<hbm>>
    %dma_start3A_13 = tpu.memref_slice %arg3[%add3A_12] : memref<4718592xf32, #tpu.memory_space<hbm>> -> memref<16384xf32, #tpu.memory_space<hbm>>
    tpu.enqueue_dma source(%arg6 : memref<16384xf32, #tpu.memory_space<vmem>>) target(%dma_start3A_13 : memref<16384xf32, #tpu.memory_space<hbm>>) target_semaphore(%arg7 : memref<!tpu.dma_semaphore, #tpu.memory_space<semaphore_mem>>)
    %mul3A_14 = arith.constant 1024 : i32
    %mul3A_15 = arith.muli %mul3A_2, %mul3A_14 : i32
    %add3A_16 = arith.constant 16384 : i32
    %add3A_17 = arith.addi %mul3A_15, %add3A_16 : i32
    %dma_start3A_18 = tpu.memref_slice %arg3[%add3A_17] : memref<4718592xf32, #tpu.memory_space<hbm>> -> memref<16384xf32, #tpu.memory_space<hbm>>
    %dma_start3A_19 = tpu.memref_slice %arg3[%add3A_17] : memref<4718592xf32, #tpu.memory_space<hbm>> -> memref<16384xf32, #tpu.memory_space<hbm>>
    tpu.enqueue_dma source(%arg6 : memref<16384xf32, #tpu.memory_space<vmem>>) target(%dma_start3A_19 : memref<16384xf32, #tpu.memory_space<hbm>>) target_semaphore(%arg7 : memref<!tpu.dma_semaphore, #tpu.memory_space<semaphore_mem>>)
    %mul3A_20 = arith.constant 1024 : i32
    %mul3A_21 = arith.muli %mul3A_2, %mul3A_20 : i32
    %add3A_22 = arith.constant 32768 : i32
    %add3A_23 = arith.addi %mul3A_21, %add3A_22 : i32
    %dma_start3A_24 = tpu.memref_slice %arg3[%add3A_23] : memref<4718592xf32, #tpu.memory_space<hbm>> -> memref<16384xf32, #tpu.memory_space<hbm>>
    %dma_start3A_25 = tpu.memref_slice %arg3[%add3A_23] : memref<4718592xf32, #tpu.memory_space<hbm>> -> memref<16384xf32, #tpu.memory_space<hbm>>
    tpu.enqueue_dma source(%arg6 : memref<16384xf32, #tpu.memory_space<vmem>>) target(%dma_start3A_25 : memref<16384xf32, #tpu.memory_space<hbm>>) target_semaphore(%arg7 : memref<!tpu.dma_semaphore, #tpu.memory_space<semaphore_mem>>)
    %mul3A_26 = arith.constant 1024 : i32
    %mul3A_27 = arith.muli %mul3A_2, %mul3A_26 : i32
    %add3A_28 = arith.constant 49152 : i32
    %add3A_29 = arith.addi %mul3A_27, %add3A_28 : i32
    %dma_start3A_30 = tpu.memref_slice %arg3[%add3A_29] : memref<4718592xf32, #tpu.memory_space<hbm>> -> memref<16384xf32, #tpu.memory_space<hbm>>
    %dma_start3A_31 = tpu.memref_slice %arg3[%add3A_29] : memref<4718592xf32, #tpu.memory_space<hbm>> -> memref<16384xf32, #tpu.memory_space<hbm>>
    tpu.enqueue_dma source(%arg6 : memref<16384xf32, #tpu.memory_space<vmem>>) target(%dma_start3A_31 : memref<16384xf32, #tpu.memory_space<hbm>>) target_semaphore(%arg7 : memref<!tpu.dma_semaphore, #tpu.memory_space<semaphore_mem>>)
    %mul3A_32 = arith.constant 1024 : i32
    %mul3A_33 = arith.muli %mul3A_2, %mul3A_32 : i32
    %add3A_34 = arith.constant 65536 : i32
    %add3A_35 = arith.addi %mul3A_33, %add3A_34 : i32
    %dma_start3A_36 = tpu.memref_slice %arg3[%add3A_35] : memref<4718592xf32, #tpu.memory_space<hbm>> -> memref<16384xf32, #tpu.memory_space<hbm>>
    %dma_start3A_37 = tpu.memref_slice %arg3[%add3A_35] : memref<4718592xf32, #tpu.memory_space<hbm>> -> memref<16384xf32, #tpu.memory_space<hbm>>
    tpu.enqueue_dma source(%arg6 : memref<16384xf32, #tpu.memory_space<vmem>>) target(%dma_start3A_37 : memref<16384xf32, #tpu.memory_space<hbm>>) target_semaphore(%arg7 : memref<!tpu.dma_semaphore, #tpu.memory_space<semaphore_mem>>)
    %mul3A_38 = arith.constant 1024 : i32
    %mul3A_39 = arith.muli %mul3A_2, %mul3A_38 : i32
    %add3A_40 = arith.constant 81920 : i32
    %add3A_41 = arith.addi %mul3A_39, %add3A_40 : i32
    %dma_start3A_42 = tpu.memref_slice %arg3[%add3A_41] : memref<4718592xf32, #tpu.memory_space<hbm>> -> memref<16384xf32, #tpu.memory_space<hbm>>
    %dma_start3A_43 = tpu.memref_slice %arg3[%add3A_41] : memref<4718592xf32, #tpu.memory_space<hbm>> -> memref<16384xf32, #tpu.memory_space<hbm>>
    tpu.enqueue_dma source(%arg6 : memref<16384xf32, #tpu.memory_space<vmem>>) target(%dma_start3A_43 : memref<16384xf32, #tpu.memory_space<hbm>>) target_semaphore(%arg7 : memref<!tpu.dma_semaphore, #tpu.memory_space<semaphore_mem>>)
    %mul3A_44 = arith.constant 1024 : i32
    %mul3A_45 = arith.muli %mul3A_2, %mul3A_44 : i32
    %add3A_46 = arith.constant 98304 : i32
    %add3A_47 = arith.addi %mul3A_45, %add3A_46 : i32
    %dma_start3A_48 = tpu.memref_slice %arg3[%add3A_47] : memref<4718592xf32, #tpu.memory_space<hbm>> -> memref<16384xf32, #tpu.memory_space<hbm>>
    %dma_start3A_49 = tpu.memref_slice %arg3[%add3A_47] : memref<4718592xf32, #tpu.memory_space<hbm>> -> memref<16384xf32, #tpu.memory_space<hbm>>
    tpu.enqueue_dma source(%arg6 : memref<16384xf32, #tpu.memory_space<vmem>>) target(%dma_start3A_49 : memref<16384xf32, #tpu.memory_space<hbm>>) target_semaphore(%arg7 : memref<!tpu.dma_semaphore, #tpu.memory_space<semaphore_mem>>)
    %mul3A_50 = arith.constant 1024 : i32
    %mul3A_51 = arith.muli %mul3A_2, %mul3A_50 : i32
    %add3A_52 = arith.constant 114688 : i32
    %add3A_53 = arith.addi %mul3A_51, %add3A_52 : i32
    %dma_start3A_54 = tpu.memref_slice %arg3[%add3A_53] : memref<4718592xf32, #tpu.memory_space<hbm>> -> memref<16384xf32, #tpu.memory_space<hbm>>
    %dma_start3A_55 = tpu.memref_slice %arg3[%add3A_53] : memref<4718592xf32, #tpu.memory_space<hbm>> -> memref<16384xf32, #tpu.memory_space<hbm>>
    tpu.enqueue_dma source(%arg6 : memref<16384xf32, #tpu.memory_space<vmem>>) target(%dma_start3A_55 : memref<16384xf32, #tpu.memory_space<hbm>>) target_semaphore(%arg7 : memref<!tpu.dma_semaphore, #tpu.memory_space<semaphore_mem>>)
    %mul3A_56 = arith.constant 1024 : i32
    %mul3A_57 = arith.muli %mul3A_2, %mul3A_56 : i32
    %add3A_58 = arith.constant 131072 : i32
    %add3A_59 = arith.addi %mul3A_57, %add3A_58 : i32
    %dma_start3A_60 = tpu.memref_slice %arg3[%add3A_59] : memref<4718592xf32, #tpu.memory_space<hbm>> -> memref<16384xf32, #tpu.memory_space<hbm>>
    %dma_start3A_61 = tpu.memref_slice %arg3[%add3A_59] : memref<4718592xf32, #tpu.memory_space<hbm>> -> memref<16384xf32, #tpu.memory_space<hbm>>
    tpu.enqueue_dma source(%arg6 : memref<16384xf32, #tpu.memory_space<vmem>>) target(%dma_start3A_61 : memref<16384xf32, #tpu.memory_space<hbm>>) target_semaphore(%arg7 : memref<!tpu.dma_semaphore, #tpu.memory_space<semaphore_mem>>)
    %dma_wait3A = tpu.memref_slice %arg3[%add3A_12] : memref<4718592xf32, #tpu.memory_space<hbm>> -> memref<16384xf32, #tpu.memory_space<hbm>>
    %dma_wait3A_62 = tpu.memref_slice %arg3[%add3A_12] : memref<4718592xf32, #tpu.memory_space<hbm>> -> memref<16384xf32, #tpu.memory_space<hbm>>
    tpu.wait_dma2 semaphore(%arg7 : memref<!tpu.dma_semaphore, #tpu.memory_space<semaphore_mem>>) src(%arg6 : memref<16384xf32, #tpu.memory_space<vmem>>) dst(%dma_wait3A_62 : memref<16384xf32, #tpu.memory_space<hbm>>)
    %dma_wait3A_63 = tpu.memref_slice %arg3[%add3A_17] : memref<4718592xf32, #tpu.memory_space<hbm>> -> memref<16384xf32, #tpu.memory_space<hbm>>
    %dma_wait3A_64 = tpu.memref_slice %arg3[%add3A_17] : memref<4718592xf32, #tpu.memory_space<hbm>> -> memref<16384xf32, #tpu.memory_space<hbm>>
    tpu.wait_dma2 semaphore(%arg7 : memref<!tpu.dma_semaphore, #tpu.memory_space<semaphore_mem>>) src(%arg6 : memref<16384xf32, #tpu.memory_space<vmem>>) dst(%dma_wait3A_64 : memref<16384xf32, #tpu.memory_space<hbm>>)
    %dma_wait3A_65 = tpu.memref_slice %arg3[%add3A_23] : memref<4718592xf32, #tpu.memory_space<hbm>> -> memref<16384xf32, #tpu.memory_space<hbm>>
    %dma_wait3A_66 = tpu.memref_slice %arg3[%add3A_23] : memref<4718592xf32, #tpu.memory_space<hbm>> -> memref<16384xf32, #tpu.memory_space<hbm>>
    tpu.wait_dma2 semaphore(%arg7 : memref<!tpu.dma_semaphore, #tpu.memory_space<semaphore_mem>>) src(%arg6 : memref<16384xf32, #tpu.memory_space<vmem>>) dst(%dma_wait3A_66 : memref<16384xf32, #tpu.memory_space<hbm>>)
    %dma_wait3A_67 = tpu.memref_slice %arg3[%add3A_29] : memref<4718592xf32, #tpu.memory_space<hbm>> -> memref<16384xf32, #tpu.memory_space<hbm>>
    %dma_wait3A_68 = tpu.memref_slice %arg3[%add3A_29] : memref<4718592xf32, #tpu.memory_space<hbm>> -> memref<16384xf32, #tpu.memory_space<hbm>>
    tpu.wait_dma2 semaphore(%arg7 : memref<!tpu.dma_semaphore, #tpu.memory_space<semaphore_mem>>) src(%arg6 : memref<16384xf32, #tpu.memory_space<vmem>>) dst(%dma_wait3A_68 : memref<16384xf32, #tpu.memory_space<hbm>>)
    %dma_wait3A_69 = tpu.memref_slice %arg3[%add3A_35] : memref<4718592xf32, #tpu.memory_space<hbm>> -> memref<16384xf32, #tpu.memory_space<hbm>>
    %dma_wait3A_70 = tpu.memref_slice %arg3[%add3A_35] : memref<4718592xf32, #tpu.memory_space<hbm>> -> memref<16384xf32, #tpu.memory_space<hbm>>
    tpu.wait_dma2 semaphore(%arg7 : memref<!tpu.dma_semaphore, #tpu.memory_space<semaphore_mem>>) src(%arg6 : memref<16384xf32, #tpu.memory_space<vmem>>) dst(%dma_wait3A_70 : memref<16384xf32, #tpu.memory_space<hbm>>)
    %dma_wait3A_71 = tpu.memref_slice %arg3[%add3A_41] : memref<4718592xf32, #tpu.memory_space<hbm>> -> memref<16384xf32, #tpu.memory_space<hbm>>
    %dma_wait3A_72 = tpu.memref_slice %arg3[%add3A_41] : memref<4718592xf32, #tpu.memory_space<hbm>> -> memref<16384xf32, #tpu.memory_space<hbm>>
    tpu.wait_dma2 semaphore(%arg7 : memref<!tpu.dma_semaphore, #tpu.memory_space<semaphore_mem>>) src(%arg6 : memref<16384xf32, #tpu.memory_space<vmem>>) dst(%dma_wait3A_72 : memref<16384xf32, #tpu.memory_space<hbm>>)
    %dma_wait3A_73 = tpu.memref_slice %arg3[%add3A_47] : memref<4718592xf32, #tpu.memory_space<hbm>> -> memref<16384xf32, #tpu.memory_space<hbm>>
    %dma_wait3A_74 = tpu.memref_slice %arg3[%add3A_47] : memref<4718592xf32, #tpu.memory_space<hbm>> -> memref<16384xf32, #tpu.memory_space<hbm>>
    tpu.wait_dma2 semaphore(%arg7 : memref<!tpu.dma_semaphore, #tpu.memory_space<semaphore_mem>>) src(%arg6 : memref<16384xf32, #tpu.memory_space<vmem>>) dst(%dma_wait3A_74 : memref<16384xf32, #tpu.memory_space<hbm>>)
    %dma_wait3A_75 = tpu.memref_slice %arg3[%add3A_53] : memref<4718592xf32, #tpu.memory_space<hbm>> -> memref<16384xf32, #tpu.memory_space<hbm>>
    %dma_wait3A_76 = tpu.memref_slice %arg3[%add3A_53] : memref<4718592xf32, #tpu.memory_space<hbm>> -> memref<16384xf32, #tpu.memory_space<hbm>>
    tpu.wait_dma2 semaphore(%arg7 : memref<!tpu.dma_semaphore, #tpu.memory_space<semaphore_mem>>) src(%arg6 : memref<16384xf32, #tpu.memory_space<vmem>>) dst(%dma_wait3A_76 : memref<16384xf32, #tpu.memory_space<hbm>>)
    %dma_wait3A_77 = tpu.memref_slice %arg3[%add3A_59] : memref<4718592xf32, #tpu.memory_space<hbm>> -> memref<16384xf32, #tpu.memory_space<hbm>>
    %dma_wait3A_78 = tpu.memref_slice %arg3[%add3A_59] : memref<4718592xf32, #tpu.memory_space<hbm>> -> memref<16384xf32, #tpu.memory_space<hbm>>
    tpu.wait_dma2 semaphore(%arg7 : memref<!tpu.dma_semaphore, #tpu.memory_space<semaphore_mem>>) src(%arg6 : memref<16384xf32, #tpu.memory_space<vmem>>) dst(%dma_wait3A_78 : memref<16384xf32, #tpu.memory_space<hbm>>)
    %dma_start3A_79 = arith.constant 0 : i32
    %dma_start3A_80 = tpu.memref_slice %arg3[%dma_start3A_79] : memref<4718592xf32, #tpu.memory_space<hbm>> -> memref<4718592xf32, #tpu.memory_space<hbm>>
    tpu.enqueue_indirect_dma source(%arg5 : memref<144xf32, #tpu.memory_space<vmem>>) target(%dma_start3A_80 : memref<4718592xf32, #tpu.memory_space<hbm>>) offsets(%arg4 : memref<144xi32, #tpu.memory_space<vmem>>) semaphore(%arg8 : memref<!tpu.dma_semaphore, #tpu.memory_space<semaphore_mem>>)
    %dma_wait3A_81 = arith.constant 0 : i32
    %dma_wait3A_82 = tpu.memref_slice %arg3[%dma_wait3A_81] : memref<4718592xf32, #tpu.memory_space<hbm>> -> memref<4718592xf32, #tpu.memory_space<hbm>>
    tpu.wait_indirect_dma semaphore(%arg8 : memref<!tpu.dma_semaphore, #tpu.memory_space<semaphore_mem>>) src(%arg5 : memref<144xf32, #tpu.memory_space<vmem>>) dst(%dma_wait3A_82 : memref<4718592xf32, #tpu.memory_space<hbm>>)
    return
  }
}

module attributes {stable_mosaic.version = 14 : i64} {
  func.func @_assign_body(%arg0: i32, %arg1: memref<1x576x64xf32, #tpu.memory_space<vmem>>, %arg2: memref<1024x64xf32, #tpu.memory_space<vmem>>, %arg3: memref<1x1x576xi32, #tpu.memory_space<vmem>>, %arg4: memref<1x1024x64xf32, #tpu.memory_space<vmem>>, %arg5: memref<8x1024xf32, #tpu.memory_space<vmem>>) attributes {dimension_semantics = [#tpu.dimension_semantics<arbitrary>], iteration_bounds = array<i64: 8>, scalar_prefetch = 0 : i64, scratch_operands = 1 : i64, tpu.core_type = #tpu.core_type<tc>, window_params = [{transform_indices = @transform_0, window_bounds = array<i64: 1, 576, 64>}, {pipeline_mode = #tpu.pipeline_mode<synchronous>, transform_indices = @transform_1, window_bounds = array<i64: 1024, 64>}, {transform_indices = @transform_2, window_bounds = array<i64: 1, 1, 576>}, {transform_indices = @transform_3, window_bounds = array<i64: 1, 1024, 64>}]} {
    %get3A = arith.constant 0 : index
    %get3A_0 = arith.constant 0 : index
    %get3A_1 = vector.load %arg2[%get3A, %get3A_0] : memref<1024x64xf32, #tpu.memory_space<vmem>>, vector<1024x64xf32>
    %eq3A = arith.constant 0 : i32
    %eq3A_2 = arith.cmpi eq, %arg0, %eq3A : i32
    %convert_element_type3A = arith.extui %eq3A_2 : i1 to i32
    %cond3A = arith.constant 0 : i32
    %cond3A_3 = arith.cmpi ne, %convert_element_type3A, %cond3A : i32
    scf.if %cond3A_3 {
      %mul3A_57 = arith.mulf %get3A_1, %get3A_1 : vector<1024x64xf32>
      %reduce_sum3A_58 = arith.constant dense<0.000000e+00> : vector<1024xf32>
      %reduce_sum3A_59 = vector.multi_reduction <add>, %mul3A_57, %reduce_sum3A_58 [1] : vector<1024x64xf32> to vector<1024xf32>
      %broadcast_in_dim3A_60 = vector.shape_cast %reduce_sum3A_59 : vector<1024xf32> to vector<1x1024xf32>
      %broadcast_in_dim3A_61 = vector.shape_cast %broadcast_in_dim3A_60 : vector<1x1024xf32> to vector<1x1024xf32>
      %broadcast_in_dim3A_62 = vector.broadcast %broadcast_in_dim3A_61 : vector<1x1024xf32> to vector<8x1024xf32>
      %swap3A_63 = arith.constant 0 : index
      %swap3A_64 = arith.constant 0 : index
      %swap3A_65 = vector.load %arg5[%swap3A_63, %swap3A_64] : memref<8x1024xf32, #tpu.memory_space<vmem>>, vector<8x1024xf32>
      tpu.vector_store %arg5[%swap3A_63, %swap3A_64], %broadcast_in_dim3A_62 {strides = array<i32>} : memref<8x1024xf32, #tpu.memory_space<vmem>>, vector<8x1024xf32>,
    } else {
    }
    %get3A_4 = arith.constant 0 : index
    %get3A_5 = arith.constant 0 : index
    %get3A_6 = arith.constant 0 : index
    %get3A_7 = vector.load %arg1[%get3A_4, %get3A_5, %get3A_6] : memref<1x576x64xf32, #tpu.memory_space<vmem>>, vector<1x576x64xf32>
    %get3A_8 = vector.shape_cast %get3A_7 : vector<1x576x64xf32> to vector<576x64xf32>
    %dot_general3A = arith.constant dense<0.000000e+00> : vector<576x1024xf32>
    %dot_general3A_9 = tpu.matmul %get3A_8, %get3A_1, %dot_general3A {dimension_numbers = #tpu.dot_dimension_numbers<[1], [1], [0], [0], [0, 0, 1, 0], [], []>, transpose_lhs_hint = false} : vector<576x64xf32>, vector<1024x64xf32>, vector<576x1024xf32> -> vector<576x1024xf32>
    %mul3A = arith.mulf %get3A_8, %get3A_8 : vector<576x64xf32>
    %reduce_sum3A = arith.constant dense<0.000000e+00> : vector<576xf32>
    %reduce_sum3A_10 = vector.multi_reduction <add>, %mul3A, %reduce_sum3A [1] : vector<576x64xf32> to vector<576xf32>
    %broadcast_in_dim3A = vector.shape_cast %reduce_sum3A_10 : vector<576xf32> to vector<576x1xf32>
    %mul3A_11 = arith.constant 2.000000e+00 : f32
    %mul3A_12 = vector.broadcast %mul3A_11 : f32 to vector<576x1024xf32>
    %mul3A_13 = arith.mulf %mul3A_12, %dot_general3A_9 : vector<576x1024xf32>
    %sub3A = vector.broadcast %broadcast_in_dim3A : vector<576x1xf32> to vector<576x1024xf32>
    %sub3A_14 = arith.subf %sub3A, %mul3A_13 : vector<576x1024xf32>
    %get3A_15 = arith.constant 0 : index
    %get3A_16 = arith.constant 0 : index
    %get3A_17 = vector.load %arg5[%get3A_15, %get3A_16] : memref<8x1024xf32, #tpu.memory_space<vmem>>, vector<1x1024xf32>
    %add3A = vector.broadcast %get3A_17 : vector<1x1024xf32> to vector<576x1024xf32>
    %add3A_18 = arith.addf %sub3A_14, %add3A : vector<576x1024xf32>
    %argmin3A = tpu.reduce_index %add3A_18 {axis = 1 : i32, kind = #tpu.reduction_kind<arg_min>} : vector<576x1024xf32> -> vector<576xi32>
    %iota3A = tpu.iota {dimensions = array<i32: 1>} : vector<1x576xi32>
    %iota3A_19 = vector.shape_cast %iota3A : vector<1x576xi32> to vector<576xi32>
    %mul3A_20 = arith.constant 576 : i32
    %mul3A_21 = arith.muli %arg0, %mul3A_20 : i32
    %add3A_22 = vector.broadcast %mul3A_21 : i32 to vector<576xi32>
    %add3A_23 = arith.addi %add3A_22, %iota3A_19 : vector<576xi32>
    %mul3A_24 = arith.constant 1024 : i32
    %mul3A_25 = vector.broadcast %mul3A_24 : i32 to vector<576xi32>
    %mul3A_26 = arith.muli %add3A_23, %mul3A_25 : vector<576xi32>
    %add3A_27 = arith.addi %mul3A_26, %argmin3A : vector<576xi32>
    %swap3A = arith.constant 0 : index
    %swap3A_28 = arith.constant 0 : index
    %swap3A_29 = arith.constant 0 : index
    %swap3A_30 = vector.load %arg3[%swap3A, %swap3A_28, %swap3A_29] : memref<1x1x576xi32, #tpu.memory_space<vmem>>, vector<1x1x576xi32>
    %swap3A_31 = vector.shape_cast %swap3A_30 : vector<1x1x576xi32> to vector<576xi32>
    %swap3A_32 = vector.shape_cast %add3A_27 : vector<576xi32> to vector<1x1x576xi32>
    tpu.vector_store %arg3[%swap3A, %swap3A_28, %swap3A_29], %swap3A_32 {strides = array<i32>} : memref<1x1x576xi32, #tpu.memory_space<vmem>>, vector<1x1x576xi32>,
    %iota3A_33 = tpu.iota {dimensions = array<i32: 1>} : vector<576x1024xi32>
    %broadcast_in_dim3A_34 = vector.shape_cast %argmin3A : vector<576xi32> to vector<576x1xi32>
    %eq3A_35 = vector.broadcast %broadcast_in_dim3A_34 : vector<576x1xi32> to vector<576x1024xi32>
    %eq3A_36 = arith.cmpi eq, %iota3A_33, %eq3A_35 : vector<576x1024xi32>
    %convert_element_type3A_37 = arith.extui %eq3A_36 : vector<576x1024xi1> to vector<576x1024xi32>
    %convert_element_type3A_38 = arith.sitofp %convert_element_type3A_37 : vector<576x1024xi32> to vector<576x1024xf32>
    %reduce_sum3A_39 = arith.constant dense<0.000000e+00> : vector<1024xf32>
    %reduce_sum3A_40 = vector.multi_reduction <add>, %convert_element_type3A_38, %reduce_sum3A_39 [0] : vector<576x1024xf32> to vector<1024xf32>
    %dot_general3A_41 = arith.constant dense<0.000000e+00> : vector<1024x64xf32>
    %dot_general3A_42 = tpu.matmul %convert_element_type3A_38, %get3A_8, %dot_general3A_41 {dimension_numbers = #tpu.dot_dimension_numbers<[0], [0], [1], [1], [0, 1, 1, 1], [], []>, transpose_lhs_hint = false} : vector<576x1024xf32>, vector<576x64xf32>, vector<1024x64xf32> -> vector<1024x64xf32>
    %broadcast_in_dim3A_43 = vector.shape_cast %reduce_sum3A_40 : vector<1024xf32> to vector<1024x1xf32>
    %gt3A = arith.constant 0.000000e+00 : f32
    %gt3A_44 = vector.broadcast %gt3A : f32 to vector<1024x1xf32>
    %gt3A_45 = arith.cmpf ogt, %broadcast_in_dim3A_43, %gt3A_44 : vector<1024x1xf32>
    %max3A = arith.constant 1.000000e+00 : f32
    %max3A_46 = vector.broadcast %max3A : f32 to vector<1024x1xf32>
    %max3A_47 = arith.maximumf %broadcast_in_dim3A_43, %max3A_46 : vector<1024x1xf32>
    %div3A = vector.broadcast %max3A_47 : vector<1024x1xf32> to vector<1024x64xf32>
    %div3A_48 = arith.divf %dot_general3A_42, %div3A : vector<1024x64xf32>
    %broadcast_in_dim3A_49 = vector.shape_cast %gt3A_45 : vector<1024x1xi1> to vector<1024x1xi1>
    %broadcast_in_dim3A_50 = vector.broadcast %broadcast_in_dim3A_49 : vector<1024x1xi1> to vector<1024x64xi1>
    %select_n3A = arith.select %broadcast_in_dim3A_50, %div3A_48, %get3A_1 : vector<1024x64xi1>, vector<1024x64xf32>
    %swap3A_51 = arith.constant 0 : index
    %swap3A_52 = arith.constant 0 : index
    %swap3A_53 = arith.constant 0 : index
    %swap3A_54 = vector.load %arg4[%swap3A_51, %swap3A_52, %swap3A_53] : memref<1x1024x64xf32, #tpu.memory_space<vmem>>, vector<1x1024x64xf32>
    %swap3A_55 = vector.shape_cast %swap3A_54 : vector<1x1024x64xf32> to vector<1024x64xf32>
    %swap3A_56 = vector.shape_cast %select_n3A : vector<1024x64xf32> to vector<1x1024x64xf32>
    tpu.vector_store %arg4[%swap3A_51, %swap3A_52, %swap3A_53], %swap3A_56 {strides = array<i32>} : memref<1x1024x64xf32, #tpu.memory_space<vmem>>, vector<1x1024x64xf32>,
    return
  }
  func.func @transform_0(%arg0: i32) -> (i32, i32, i32) {
    %c0_i32 = arith.constant 0 : i32
    %c0_i32_0 = arith.constant 0 : i32
    %c0_i32_1 = arith.constant 0 : i32
    return %arg0, %c0_i32, %c0_i32_0 : i32, i32, i32
  }
  func.func @transform_1(%arg0: i32) -> (i32, i32) {
    %c0_i32 = arith.constant 0 : i32
    %c0_i32_0 = arith.constant 0 : i32
    %c0_i32_1 = arith.constant 0 : i32
    return %c0_i32, %c0_i32_0 : i32, i32
  }
  func.func @transform_2(%arg0: i32) -> (i32, i32, i32) {
    %c0_i32 = arith.constant 0 : i32
    %c0_i32_0 = arith.constant 0 : i32
    %c0_i32_1 = arith.constant 0 : i32
    return %arg0, %c0_i32, %c0_i32_0 : i32, i32, i32
  }
  func.func @transform_3(%arg0: i32) -> (i32, i32, i32) {
    %c0_i32 = arith.constant 0 : i32
    %c0_i32_0 = arith.constant 0 : i32
    %c0_i32_1 = arith.constant 0 : i32
    return %arg0, %c0_i32, %c0_i32_0 : i32, i32, i32
  }
}

</mosaic_0001>

<sc_bundles>
// kernel: kernel.4.cloned.1.call-start
scs
__scs_entry_jumppad:
0x0: {  	(pc) =	sbr.rel $0x88, $3  }
0x1: {  	(tag) =	ssettag $0x0;
	lr =	simm.s32 $0x1  }
0x2: {  	[smem:$0x3F9F] =	sst lr;
	_ =	strace $0xD0000000  }
0x3: {  	_ = 	snop  }
0x4: {  	_ = 	snop  }
0x5: {  	_ = 	snop  }
0x6: {  	_ = 	snop  }
0x7: {  	_ = 	snop  }
__scs_overlays_trampoline_lowered:
0x8: {  	[smem:$0x3FAE] =	sst s0  }
0x9: {  	[smem:$0x3FAF] =	sst s1  }
0xa: {  	[smem:$0x3FB0] =	sst s2  }
0xb: {  	[smem:$0x3FB1] =	sst s3  }
0xc: {  	[smem:$0x3FB2] =	sst s4  }
0xd: {  	[smem:$0x3FB3] =	sst s5  }
0xe: {  	[smem:$0x3FB4] =	sst s6  }
0xf: {  	[smem:$0x3FB5] =	sst s7  }
0x10: {  	[smem:$0x3FB6] =	sst s8  }
0x11: {  	[smem:$0x3FB7] =	sst s9;
	s0 =	simm.s32 @!p0 $0x0  }
0x12: {  	s1 =	sld [smem:$0x3F9D];
	s0 =	simm.s32 @p0 $0x1  }
0x13: {  	[smem:$0x3FB8] =	sst s0;
	s0 =	simm.s32 @!p1 $0x0  }
0x14: {  	s2 =	sld [smem:$0x3F9C];
	s0 =	simm.s32 @p1 $0x1  }
0x15: {  	[smem:$0x3FB9] =	sst s0;
	s0 =	simm.s32 @!p2 $0x0  }
0x16: {  	s3 =	sld [smem:$0x3FDB];
	s0 =	simm.s32 @p2 $0x1  }
0x17: {  	s4 =	simm.s32 $0x1BF5;
	[smem:$0x3FBB] =	sst s0  }
0x18: {  	s0 =	sld [smem:$0x3F9E];
	_ =	swait.ge [sflag:s4], $0x0  }
0x19: {  	s7 =	sld [smem:$0x3F9F]  }
0x1a: {  	s8 =	sadd.s32 $0xFFFFE003, lr  }
0x1b: {  	s9 =	sadd.s32 $0xFFFFFEF7, lr;
	s5 =	simm.s32 $0xFFFFFFFF;
	p2 =	slt.u32 s8, $0xFFFFF086  }
0x1c: {  	p1 =	slt.u32 s9, $0xF7A;
	s5 =	simm.s32 @!p2 $0x0  }
0x1d: {  	s5 =	simm.s32 @p1 $0x1;
	p0 =	seq.s32 s7, s2  }
0x1e: {  	s7 =	smul.u32 @!p0 $0xF7A, s2;
	p2 =	seq.s32 @!p0 s5, $0x0  }
0x1f: {  	s9 =	smul.u32 $0xF7A, s1;
	s8 =	simm.s32 @!p0 $0x1BF5;
	p2 =	por !p2, p0  }
0x20: {  	[sflag:s8] =	ssyncset.s32 @!p0 $0xFFFFF086;
	s6 =	sadd.s32 @!p0 s3, s7;
	s7 =	simm.s32 @!p0 $0x108  }
0x21: {  	s3 =	sadd.s32 s3, s9;
	s6 =	sadd.s32 @!p0 $0x88, s6;
	s7 =	simm.s32 @p2 $0x1082  }
0x22: {  	[simem:s7], [sflag:s8] =	dma.local @!p0 [hbm:s6], $0xF7A  }
0x23: {  	s9 =	sor.u32 $0xD0000000, s2;
	s6 =	simm.s32 $0x108;
	_ =	swait.ge @!p0 [sflag:s8], $0x0  }
0x24: {  	s3 =	sadd.s32 $0x88, s3;
	s6 =	simm.s32 @!p1 $0x1082;
	[sflag:s4] =	ssyncset.s32 $0xFFFFF086  }
0x25: {  	[simem:s6], [sflag:s4] =	dma.local [hbm:s3], $0xF7A  }
0x26: {  	[smem:$0x3F9F] =	sst s1;
	(tag) =	ssettag s2;
	_ =	strace s9  }
0x27: {  	s1 =	sld [smem:$0x3FAF]  }
0x28: {  	s2 =	sld [smem:$0x3FB0]  }
0x29: {  	s4 =	sld [smem:$0x3FB2]  }
0x2a: {  	p0 =	seq.s32 s5, $0x0;
	s5 =	sld [smem:$0x3FB3]  }
0x2b: {  	s6 =	sld [smem:$0x3FB4]  }
0x2c: {  	s7 =	sld [smem:$0x3FB5]  }
0x2d: {  	s3 =	simm.s32 $0x108;
	s8 =	sld [smem:$0x3FB6]  }
0x2e: {  	s3 =	simm.s32 @!p0 $0x1082;
	s9 =	sld [smem:$0x3FB7]  }
0x2f: {  	lr =	sadd.s32 s0, s3;
	s0 =	sld [smem:$0x3FAE]  }
0x30: {  	s3 =	sld [smem:$0x3FB1]  }
0x31: {  	[smem:$0x3FBA] =	sst s10  }
0x32: {  	s10 =	sld [smem:$0x3FB8];
	_ =	sdelay $0x3  }
0x33: {  	p0 =	seq.s32 s10, $0x1;
	s10 =	sld [smem:$0x3FBA];
	_ =	sdelay $0x3  }
0x34: {  	[smem:$0x3FBA] =	sst s10  }
0x35: {  	s10 =	sld [smem:$0x3FB9];
	_ =	sdelay $0x3  }
0x36: {  	p1 =	seq.s32 s10, $0x1;
	s10 =	sld [smem:$0x3FBA];
	_ =	sdelay $0x3  }
0x37: {  	[smem:$0x3FBA] =	sst s10  }
0x38: {  	s10 =	sld [smem:$0x3FBB]  }
0x39: {  	_ = 	snop;
	(pc) =	sbr.ind lr, $3  }
0x3a: {  	_ = 	snop  }
0x3b: {  	_ = 	snop  }
0x3c: {  	p2 =	seq.s32 s10, $0x1;
	s10 =	sld [smem:$0x3FBA]  }
0x3d: {  	_ =	shalt  }
0x3e: {  	_ =	shalt  }
0x3f: {  	_ =	shalt  }
0x40: {  	_ =	shalt  }
0x41: {  	_ =	shalt  }
0x42: {  	_ =	shalt  }
0x43: {  	_ =	shalt  }
0x44: {  	_ =	shalt  }
0x45: {  	_ =	shalt  }
0x46: {  	_ =	shalt  }
0x47: {  	_ =	shalt  }
0x48: {  	_ =	shalt  }
0x49: {  	_ =	shalt  }
0x4a: {  	_ =	shalt  }
0x4b: {  	_ =	shalt  }
0x4c: {  	_ =	shalt  }
0x4d: {  	_ =	shalt  }
0x4e: {  	_ =	shalt  }
0x4f: {  	_ =	shalt  }
0x50: {  	_ =	shalt  }
0x51: {  	_ =	shalt  }
0x52: {  	_ =	shalt  }
0x53: {  	_ =	shalt  }
0x54: {  	_ =	shalt  }
0x55: {  	_ =	shalt  }
0x56: {  	_ =	shalt  }
0x57: {  	_ =	shalt  }
0x58: {  	_ =	shalt  }
0x59: {  	_ =	shalt  }
0x5a: {  	_ =	shalt  }
0x5b: {  	_ =	shalt  }
0x5c: {  	_ =	shalt  }
0x5d: {  	_ =	shalt  }
0x5e: {  	_ =	shalt  }
0x5f: {  	_ =	shalt  }
0x60: {  	_ =	shalt  }
0x61: {  	_ =	shalt  }
0x62: {  	_ =	shalt  }
0x63: {  	_ =	shalt  }
0x64: {  	_ =	shalt  }
0x65: {  	_ =	shalt  }
0x66: {  	_ =	shalt  }
0x67: {  	_ =	shalt  }
0x68: {  	_ =	shalt  }
0x69: {  	_ =	shalt  }
0x6a: {  	_ =	shalt  }
0x6b: {  	_ =	shalt  }
0x6c: {  	_ =	shalt  }
0x6d: {  	_ =	shalt  }
0x6e: {  	_ =	shalt  }
0x6f: {  	_ =	shalt  }
0x70: {  	_ =	shalt  }
0x71: {  	_ =	shalt  }
0x72: {  	_ =	shalt  }
0x73: {  	_ =	shalt  }
0x74: {  	_ =	shalt  }
0x75: {  	_ =	shalt  }
0x76: {  	_ =	shalt  }
0x77: {  	_ =	shalt  }
0x78: {  	_ =	shalt  }
0x79: {  	_ =	shalt  }
0x7a: {  	_ =	shalt  }
0x7b: {  	_ =	shalt  }
0x7c: {  	_ =	shalt  }
0x7d: {  	_ =	shalt  }
0x7e: {  	_ =	shalt  }
0x7f: {  	_ =	shalt  }
0x80: {  	_ =	shalt  }
0x81: {  	_ =	shalt  }
0x82: {  	_ =	shalt  }
0x83: {  	_ =	shalt  }
0x84: {  	_ =	shalt  }
0x85: {  	_ =	shalt  }
0x86: {  	_ =	shalt  }
0x87: {  	_ =	shalt  }
.Lfunc_end0:
.L_simem_size_0:
called_computation_lowered:
.L_overlay_start_0:
0x88: {  	s2 =	sld [smem:$0x3FD9]  }
0x89: {  	s3 =	sld [smem:$0x3FFE];
	_ =	sdelay $0x1  }
0x8a: {  	s1 =	srdreg.scid  }
0x8b: {  	s0 =	sand.u32 $0x1, s1  }
0x8c: {  	s14 =	sshll.u32 s0, $0xA;
	s2 =	sadd.s32 s3, s2  }
0x8d: {  	s2 =	sadd.s32 s2, s14  }
0x8e: {  	[smem:$0x3FC6] =	sst s2  }
0x8f: {  	_ = 	snop  }
0x90: {  	s2 =	sld [smem:$0x3FD0];
	_ =	sdelay $0x2  }
0x91: {  	s15 =	simm.s32 $0xA;
	s4 =	simm.s32 $0x10  }
0x92: {  	[smem:s4], [sflag:s15] =	dma.local [hbm:s2], $0x1  }
0x93: {  	_ =	swait.eq [sflag:s15], $0x1  }
0x94: {  	[sflag:s15] =	ssyncset.done $0x0  }
0x95: {  	[sflag:s15] =	ssyncadd.s32 $0xFFFFFFFF  }
0x96: {  	s16 =	sld [smem:$0x10];
	(tm) =	ssettm $0x1  }
0x97: {  	s17 =	sld [smem:$0x3FFB];
	_ =	sdelay $0x3  }
0x98: {  	_ =	strace s17  }
0x99: {  	s3 =	sld [smem:$0x3FFC];
	_ =	sdelay $0x3  }
0x9a: {  	_ =	strace s3  }
0x9b: {  	s3 =	sld [smem:$0x3FFD];
	_ =	sdelay $0x3  }
0x9c: {  	_ =	strace s3  }
0x9d: {  	_ =	strace $0x8FFFFFFF  }
0x9e: {  	s18 =	sld [smem:$0x3FDB];
	_ =	sdelay $0x1  }
0x9f: {  	s19 =	simm.s32 $_scs_section_size  }
0xa0: {  	s5 =	simm.s32 $_size__tile_overlayer_lowered;
	s6 =	simm.s32 $_tile_overlayer_lowered  }
0xa1: {  	s22 =	simm.s32 $0x1BFF;
	s21 =	sshll.u32 s6, $0x1;
	s3 =	sadd.s32 s19, s18  }
0xa2: {  	s7 =	simm.s32 $0x0;
	s20 =	sshll.u32 s5, $0x1;
	s5 =	sadd.s32 s21, s3  }
0xa3: {  	[timem:s7], [sflag:s22] =	dma.local [hbm:s5], s20  }
0xa4: {  	_ =	swait.ge [sflag:s22], s20  }
0xa5: {  	s4 =	ssub.s32 $0x0, s20;
	[sflag:s22] =	ssyncset.done $0x0  }
0xa6: {  	[sflag:s22] =	ssyncadd.s32 s4;
	_ =	sdelay $0x1  }
0xa7: {  	s23 =	simm.s32 $0x1B8B  }
0xa8: {  	_ =	swait.ge [sflag:s23], $0x1  }
0xa9: {  	[sflag:s23] =	ssyncset.done $0x0  }
0xaa: {  	s25 =	simm.s32 $0x1B8E;
	s24 =	sld [smem:$0x3FFE];
	[sflag:s23] =	ssyncadd.s32 $0xFFFFFFFF  }
0xab: {  	s26 =	simm.s32 $execute0_lowered;
	[smem:$0x3FD2] =	sst s25  }
0xac: {  	s5 =	sshll.u32 s26, $0x1;
	_ =	strace $0x80000046;
	[dreg:$0x1] =	wrdreg $0xFFFFFFFF  }
0xad: {  	s28 =	simm.s32 $_size_execute0_lowered;
	s3 =	sadd.s32 s3, s5;
	[dreg:$0x0] =	wrdreg $0x0  }
0xae: {  	s5 =	sshll.u32 s28, $0x1;
	[dreg:$0x2] =	wrdreg s3  }
0xaf: {  	[dreg:$0x3] =	wrdreg s5  }
0xb0: {  	[dreg:$0x4] =	wrdreg $0xC0  }
0xb1: {  	_ =	task [dreg:s7], $0x5FFFF  }
0xb2: {  	[dreg:$0x1] =	wrdreg $0xFFFFFFFF  }
0xb3: {  	[dreg:$0x0] =	wrdreg $0x60  }
0xb4: {  	[dreg:$0x2] =	wrdreg s16  }
0xb5: {  	[dreg:$0x3] =	wrdreg s24  }
0xb6: {  	[dreg:$0x4] =	wrdreg $0x9  }
0xb7: {  	_ =	task.clear_ibuf [dreg:s7], $0x5FFFF;
	_ =	strace $0x90000046  }
0xb8: {  	s29 =	simm.s32 $0x9;
	_ =	strace $0x80000048  }
0xb9: {  	_ =	swait.ge [sflag:s29], $0x1  }
0xba: {  	[sflag:s29] =	ssyncadd.s32 $0xFFFFFFFF  }
0xbb: {  	_ =	strace $0x90000048  }
0xbc: {  	_ =	sfence  }
0xbd: {  	s30 =	sld [smem:$0x0];
	_ =	sdelay $0x2  }
0xbe: {  	s31 =	sshll.u32 s1, $0xD;
	s1 =	sshrl.u32 s1, $0x2  }
0xbf: {  	s3 =	sand.u32 $0x4000, s31;
	s1 =	sadd.s32 s1, s30  }
0xc0: {  	s0 =	sor.u32 s3, s0;
	s1 =	sshll.u32 s1, $0x11  }
0xc1: {  	s0 =	sor.u32 s1, s0  }
0xc2: {  	s0 =	sadd.s32 $0x8F2B, s0  }
0xc3: {  	[sflag:s0] =	ssyncadd.remote.s32 $0x1  }
0xc4: {  	_ =	sfence.sel $0xFFFF  }
0xc5: {  	[dreg:$0x0] =	wrdreg $0xFFFFFFFF;
	(pc) =	sbr.abs _section_cstart, $3  }
0xc6: {  	[dreg:$0x1] =	wrdreg $0xFFFFFFFF  }
0xc7: {  	_ =	task.clear_ibuf [dreg:s7], $0x2FFFF;
	_ =	strace $0x9FFFFFFF  }
0xc8: {  	(tm) =	ssettm $0x7FFFFFFF  }
0xc9: {  	_ =	shalt  }
tec
execute0_lowered:
.L_overlay_start_1:
0x0: {  	(tag) =	ssettag $0x1  }
0x1: {  	s1 =	srdreg.scid  }
0x2: {  	s0 =	stileid.u32;
	s5 =	rddreg [dreg:$0x0]  }
0x3: {  	s3 =	rddreg [dreg:$0x1];
	s2 =	simm.s32 $0x0;
	s15 =	simm.s32 $0x3  }
0x4: {  	s16 =	simm.s32 $0x200;
	s17 =	simm.s32 $0x1;
	s18 =	simm.s32 $0x90  }
0x5: {  	s19 =	simm.s32 $0x100;
	s4 =	sand.u32 $0x1, s1;
	s29 =	sshll.u32 s0, $0x1  }
0x6: {  	s20 =	simm.s32 $0x2;
	s1 =	rddreg [dreg:$0x2];
	s6 =	sor.u32 s4, s29  }
0x7: {  	s21 =	simm.s32 $0x0;
	[smem:$0x7FF] =	sst s2;
	s7 =	smul.u32 $0x24000, s6  }
0x8: {  	s3 =	sadd.s32 $0x200, s3;
	s8 =	ssub.s32 $0x2, s4;
	s6 =	smul.u32 $0x12, s6  }
0x9: {  	_ =	strace $0x80000047;
	s31 =	sshrl.u32 s8, $0x1;
	s30 =	sshrl.u32 s7, $0x3  }
0xa: {  	s14 =	ssub.s32 s8, s31;
	s5 =	sadd.s32 s5, s6;
	s4 =	sadd.s32 s3, s30  }
0xb: {  	s14 =	smax.u32 s14, $0x1;
	s6 =	sadd.s32 $0x800, s4;
	s7 =	sadd.s32 $0x1000, s4  }
0xc: {  	s8 =	sadd.s32 $0x1800, s4;
	s9 =	sadd.s32 $0x2000, s4;
	s10 =	sadd.s32 $0x2800, s4  }
0xd: {  	v0 =	vimm.f32 $0.0e+00;
	v1 =	vimm.f32 $1.000000000e+00;
	s11 =	sadd.s32 $0x3000, s4;
	s12 =	sadd.s32 $0x3800, s4;
	s13 =	sadd.s32 $0x4000, s4  }
.LBB2_1:
0xe: {  	s22 =	smul.u32 $0xE38F, s2  }
0xf: {  	[tilespmem:s2], [sflag:$0x3] =	stream.linear.gather [hbm4b:s5+s2], $0x90, $0x38;
	[tilespmem:$0x4200] =	vst v63  }
0x10: {  	s22 =	sshrl.u32 s22, $0x13  }
0x11: {  	s23 =	smul.u32 $0x9, s22  }
0x12: {  	_ =	swait.ge [sflag:s15], $0x90;
	s22 =	simm.s32 $0x1  }
0x13: {  	[sflag:s15] =	ssyncset.done $0x0;
	s24 =	smul.u32 $0xE38F, s22;
	s23 =	ssub.s32 $0x0, s23  }
0x14: {  	[sflag:s15] =	ssyncadd.s32 $0xFFFFFF70;
	s23 =	sand.u32 $0xFFEF, s23  }
0x15: {  	[tilespmem:s16+$0x0] =	vst v0;
	s24 =	sshrl.u32 s24, $0x13;
	s25 =	sshll.u32 s23, $0x4  }
0x16: {  	s23 =	simm.s32 $0x2;
	[tilespmem:s25+$0x100] =	vst v1;
	s25 =	smul.u32 $0x9, s24;
	s24 =	simm.s32 $0x200  }
.LBB2_2:
0x17: {  	s26 =	smul.u32 $0xE38F, s23;
	s24 =	sadd.s32 $0x10, s24;
	p0 =	sne.s32 s23, $0x3FF  }
.Ltmp0:
0x18: {  	s25 =	ssub.s32 s22, s25;
	s22 =	smov.u32 s23;
	(pc) =	sbr.rel @p0 .LBB2_2-.Ltmp0, $4  }
0x19: {  	s23 =	sadd.s32 $0x1, s23;
	s25 =	sand.u32 $0xFFEF, s25  }
0x1a: {  	[tilespmem:s24+$0x0] =	vst v0;
	s25 =	sshll.u32 s25, $0x4  }
0x1b: {  	s26 =	sshrl.u32 s26, $0x13;
	[tilespmem:s25+$0x100] =	vst v1  }
0x1c: {  	s25 =	smul.u32 $0x9, s26  }
0x1d: {  	_ = 	snop  }
0x1e: {  	s22 =	ssub.s32 s22, s25  }
0x1f: {  	s23 =	sadd.s32 $0x10, s24;
	s22 =	sand.u32 $0xFFEF, s22  }
0x20: {  	[tilespmem:s23+$0x0] =	vst v0;
	s22 =	sshll.u32 s22, $0x4  }
0x21: {  	[tilespmem:s22+$0x100] =	vst v1  }
0x22: {  	[hbm4b:s4+s2] =	stream.linear.scatter [tilespmem:s16], [sflag:$0x1], $0x4000, $0x38;
	[tilespmem:$0x4200] =	vst v63  }
0x23: {  	_ = 	snop  }
0x24: {  	[hbm4b:s6+s2] =	stream.linear.scatter [tilespmem:s16], [sflag:$0x1], $0x4000, $0x38;
	[tilespmem:$0x4200] =	vst v63  }
0x25: {  	_ = 	snop  }
0x26: {  	[hbm4b:s7+s2] =	stream.linear.scatter [tilespmem:s16], [sflag:$0x1], $0x4000, $0x38;
	[tilespmem:$0x4200] =	vst v63  }
0x27: {  	_ = 	snop  }
0x28: {  	[hbm4b:s8+s2] =	stream.linear.scatter [tilespmem:s16], [sflag:$0x1], $0x4000, $0x38;
	[tilespmem:$0x4200] =	vst v63  }
0x29: {  	_ = 	snop  }
0x2a: {  	[hbm4b:s9+s2] =	stream.linear.scatter [tilespmem:s16], [sflag:$0x1], $0x4000, $0x38;
	[tilespmem:$0x4200] =	vst v63  }
0x2b: {  	_ = 	snop  }
0x2c: {  	[hbm4b:s10+s2] =	stream.linear.scatter [tilespmem:s16], [sflag:$0x1], $0x4000, $0x38;
	[tilespmem:$0x4200] =	vst v63  }
0x2d: {  	_ = 	snop  }
0x2e: {  	[hbm4b:s11+s2] =	stream.linear.scatter [tilespmem:s16], [sflag:$0x1], $0x4000, $0x38;
	[tilespmem:$0x4200] =	vst v63  }
0x2f: {  	_ = 	snop  }
0x30: {  	[hbm4b:s12+s2] =	stream.linear.scatter [tilespmem:s16], [sflag:$0x1], $0x4000, $0x38;
	[tilespmem:$0x4200] =	vst v63  }
0x31: {  	_ = 	snop  }
0x32: {  	[hbm4b:s13+s2] =	stream.linear.scatter [tilespmem:s16], [sflag:$0x1], $0x4000, $0x38;
	[tilespmem:$0x4200] =	vst v63  }
0x33: {  	_ =	swait.ge [sflag:s17], $0x4000  }
0x34: {  	[sflag:s17] =	ssyncset.done $0x0  }
0x35: {  	[sflag:s17] =	ssyncadd.s32 $0xFFFFC000  }
0x36: {  	_ =	swait.ge [sflag:s17], $0x4000  }
0x37: {  	[sflag:s17] =	ssyncset.done $0x0  }
0x38: {  	[sflag:s17] =	ssyncadd.s32 $0xFFFFC000  }
0x39: {  	_ =	swait.ge [sflag:s17], $0x4000  }
0x3a: {  	[sflag:s17] =	ssyncset.done $0x0  }
0x3b: {  	[sflag:s17] =	ssyncadd.s32 $0xFFFFC000  }
0x3c: {  	_ =	swait.ge [sflag:s17], $0x4000  }
0x3d: {  	[sflag:s17] =	ssyncset.done $0x0  }
0x3e: {  	[sflag:s17] =	ssyncadd.s32 $0xFFFFC000  }
0x3f: {  	_ =	swait.ge [sflag:s17], $0x4000  }
0x40: {  	[sflag:s17] =	ssyncset.done $0x0  }
0x41: {  	[sflag:s17] =	ssyncadd.s32 $0xFFFFC000  }
0x42: {  	_ =	swait.ge [sflag:s17], $0x4000  }
0x43: {  	[sflag:s17] =	ssyncset.done $0x0  }
0x44: {  	[sflag:s17] =	ssyncadd.s32 $0xFFFFC000  }
0x45: {  	_ =	swait.ge [sflag:s17], $0x4000  }
0x46: {  	[sflag:s17] =	ssyncset.done $0x0  }
0x47: {  	[sflag:s17] =	ssyncadd.s32 $0xFFFFC000  }
0x48: {  	_ =	swait.ge [sflag:s17], $0x4000  }
0x49: {  	[sflag:s17] =	ssyncset.done $0x0  }
0x4a: {  	[sflag:s17] =	ssyncadd.s32 $0xFFFFC000  }
0x4b: {  	s21 =	sadd.s32 $0x1, s21;
	_ =	swait.ge [sflag:s17], $0x4000  }
0x4c: {  	p0 =	sne.s32 s21, s14;
	[sflag:s17] =	ssyncset.done $0x0  }
.Ltmp1:
0x4d: {  	[sflag:s17] =	ssyncadd.s32 $0xFFFFC000;
	(pc) =	sbr.rel @p0 .LBB2_1-.Ltmp1, $4  }
0x4e: {  	[hbm4b:s3+s18] =	stream.indirect.scatter [tilespmem:s19], [sflag:$0x2], $0x1, s2, s18, $0xb8;
	[tilespmem:$0x4200] =	vst v63  }
0x4f: {  	_ =	swait.ge [sflag:s20], $0x90  }
0x50: {  	[sflag:s20] =	ssyncset.done $0x0  }
0x51: {  	[sflag:s20] =	ssyncadd.s32 $0xFFFFFF70  }
0x52: {  	_ =	sfence.sel $0x180000  }
0x53: {  	[bflag:$0x0] =	sbarrier.arrive $0xFFFF  }
0x54: {  	p0 =	sne.s32 s0, $0x0;
	_ =	strace $0x90000047  }
0x55: {  	s0 =	sadd.s32 @!p0 $0x100000, s1;
	[bflag:$0x2] =	sbarrier.arrive $0xFFFF  }
0x56: {  	[sflag:s0] =	ssyncadd.tile.s32 @!p0 $0x1;
	_ =	shalt  }
.Lfunc_end2:
_tile_overlayer_lowered:
.L_overlay_start_2:
0x57: {  	(tag) =	ssettag $0x2  }
0x58: {  	s0 =	rddreg [dreg:$0x0];
	s2 =	stileid.u32  }
0x59: {  	s1 =	rddreg [dreg:$0x1];
	p0 =	sne.s32 s2, $0x0  }
0x5a: {  	s3 =	rddreg [dreg:$0x2];
	[bflag:$0x3] =	sbarrier.arrive $0xFFFF;
	s2 =	simm.s32 @!p0 $0x1C03  }
0x5b: {  	[timem:s3], [sflag:s2] =	dma.local @!p0 [hbm:s0], s1  }
0x5c: {  	s0 =	simm.s32 @!p0 $0x3  }
0x5d: {  	_ =	swait.ge @!p0 [sflag:s0], s1  }
0x5e: {  	s1 =	ssub.s32 @!p0 $0x0, s1;
	[sflag:s0] =	ssyncset.done @!p0 $0x0  }
0x5f: {  	[sflag:s0] =	ssyncadd.s32 @!p0 s1  }
0x60: {  	[bflag:$0x3] =	sbarrier.arrive $0xFFFF  }
0x61: {  	_ =	shalt  }

</sc_bundles>
